<compile_context>
chip_gen: v7x
topology: tpu7x:2x2x1
jax: 0.10.2.dev20260603
libtpu: 0.0.44.dev20260713+nightly
codegen_flags: <defaults>
</compile_context>

<pallas_src>
import functools
import math

import jax
import jax.numpy as jnp
from jax import lax
from jax.experimental import pallas as pl
from jax.experimental.pallas import tpu as pltpu
from jax.experimental.pallas import tpu_sc as plsc

_B = 2
_C = 32
_N = 1024
_KNN = 8
_NF = 15
_ROWS = _B * _C
_LANES = 16
_CHUNKS = _N // _LANES


def _conv2d_nhwc(x, w, b, reflect=False):
    if reflect:
        x = jnp.pad(x, ((0, 0), (1, 1), (1, 1), (0, 0)), mode='reflect')
        pad = 'VALID'
    else:
        pad = ((1, 1), (1, 1))
    y = lax.conv_general_dilated(x, jnp.transpose(w, (2, 3, 1, 0)), (1, 1), pad,
                                 dimension_numbers=('NHWC', 'HWIO', 'NHWC'))
    return y + b[None, None, None, :]


def _avgpool2_nhwc(x):
    return lax.reduce_window(x, 0.0, lax.add, (1, 2, 2, 1), (1, 2, 2, 1), 'VALID') / 4.0


def _upsample2_nhwc(x):
    n, h, w, c = x.shape
    x = jnp.broadcast_to(x[:, :, None, :, None, :], (n, h, 2, w, 2, c))
    return x.reshape(n, h * 2, w * 2, c)


def _uniform_grid(b, w, h):
    px = jnp.linspace(-1.0, 1.0, w, dtype=jnp.float32)
    py = jnp.linspace(-1.0, 1.0, h, dtype=jnp.float32)
    gx = jnp.broadcast_to(px[:, None], (w, h))
    gy = jnp.broadcast_to(py[None, :], (w, h))
    g = jnp.stack([gx, gy], axis=0)
    return jnp.broadcast_to(g[None], (b, 2, w, h))


def _sc_body(x_hbm, idx_hbm, out_hbm, idx_v, cur0, new0, cur1, new1):
    wid = lax.axis_index("s") * 2 + lax.axis_index("c")
    pltpu.sync_copy(idx_hbm, idx_v)
    rows = ((cur0, new0), (cur1, new1))
    for rloc in range(2):
        pltpu.sync_copy(x_hbm.at[2 * wid + rloc], rows[rloc][0])

    def step(i, carry):
        scale = jnp.where(i == 0, 128.0, 0.125).astype(jnp.float32)
        for rloc in range(2):
            cur, new = rows[rloc]

            def chunk(j, c2):
                b0 = pl.multiple_of(j * _LANES, _LANES)
                acc = plsc.load_gather(cur, [idx_v[0, pl.ds(b0, _LANES)]])
                for k in range(1, _KNN):
                    acc = acc + plsc.load_gather(cur, [idx_v[k, pl.ds(b0, _LANES)]])
                new[pl.ds(b0, _LANES)] = acc * scale
                return c2

            lax.fori_loop(0, _CHUNKS, chunk, None)
            r = 2 * wid + rloc
            pltpu.sync_copy(new, out_hbm.at[r // _C, i, r % _C])

            def copyback(j, c2):
                b0 = pl.multiple_of(j * _LANES, _LANES)
                cur[pl.ds(b0, _LANES)] = new[pl.ds(b0, _LANES)]
                return c2

            lax.fori_loop(0, _CHUNKS, copyback, None)
        return carry

    lax.fori_loop(0, _NF, step, None)


@jax.jit
def _sc_gather_steps(x_rows, knn_idx):
    mesh = plsc.VectorSubcoreMesh(core_axis_name="c", subcore_axis_name="s")
    f = pl.kernel(
        _sc_body,
        out_type=jax.ShapeDtypeStruct((_B, _NF, _C, _N), jnp.float32),
        mesh=mesh,
        scratch_types=[
            pltpu.VMEM((_KNN, _N), jnp.int32),
            pltpu.VMEM((_N,), jnp.float32),
            pltpu.VMEM((_N,), jnp.float32),
            pltpu.VMEM((_N,), jnp.float32),
            pltpu.VMEM((_N,), jnp.float32),
        ],
        compiler_params=pltpu.CompilerParams(needs_layout_passes=False),
    )
    return f(x_rows, knn_idx)


def _up_pad_body(x_ref, o_ref):
    x = x_ref[0]
    s, _, c = x.shape
    up = jnp.concatenate([x[:, :, None, :], x[:, :, None, :]], axis=2)
    up = up.reshape(s, 2 * s, c)
    up = jnp.concatenate([up[:, None], up[:, None]], axis=1)
    up = up.reshape(2 * s, 2 * s, c)
    ph = jnp.concatenate([up[1:2], up, up[2 * s - 2:2 * s - 1]], axis=0)
    pw = jnp.concatenate([ph[:, 1:2], ph, ph[:, 2 * s - 2:2 * s - 1]], axis=1)
    o_ref[...] = pw[None]


def _up_pad(x):
    n, s, _, c = x.shape
    t = 2 * s + 2
    return pl.pallas_call(
        _up_pad_body,
        grid=(n,),
        in_specs=[pl.BlockSpec((1, s, s, c), lambda i: (i, 0, 0, 0))],
        out_specs=pl.BlockSpec((1, t, t, c), lambda i: (i, 0, 0, 0)),
        out_shape=jax.ShapeDtypeStruct((n, t, t, c), jnp.float32),
    )(x)


def _dec_body(xp_ref, w1_ref, b1_ref, w2_ref, b2_ref, out_ref,
              acc1_ref, d1p_ref, acc2_ref):
    x = xp_ref[0]
    acc1_ref[...] = jnp.zeros_like(acc1_ref)
    for dy in range(3):
        for dx in range(3):
            xs = x[dy:dy + 64, dx:dx + 64, :].reshape(4096, 32)
            acc1_ref[...] += jnp.dot(xs, w1_ref[dy, dx],
                                     preferred_element_type=jnp.float32)
    d1 = jax.nn.relu(acc1_ref[...] + b1_ref[...])
    d1p_ref[...] = jnp.zeros_like(d1p_ref)
    d1p_ref[1:65, 1:65, :] = d1.reshape(64, 64, 64)
    acc2_ref[...] = jnp.zeros_like(acc2_ref)
    for dy in range(3):
        for dx in range(3):
            xs = d1p_ref[dy:dy + 64, dx:dx + 64, :].reshape(4096, 64)
            acc2_ref[...] += jnp.dot(xs, w2_ref[dy, dx],
                                     preferred_element_type=jnp.float32)
    g = jax.nn.relu(acc2_ref[...] + b2_ref[...])
    out_ref[...] = g.reshape(1, 64, 64, 32)


def _dec_convs(up1p, w1, b1, w2, b2):
    return pl.pallas_call(
        _dec_body,
        grid=(30,),
        in_specs=[
            pl.BlockSpec((1, 66, 66, 32), lambda i: (i, 0, 0, 0)),
            pl.BlockSpec((3, 3, 32, 64), lambda i: (0, 0, 0, 0)),
            pl.BlockSpec((1, 64), lambda i: (0, 0)),
            pl.BlockSpec((3, 3, 64, 32), lambda i: (0, 0, 0, 0)),
            pl.BlockSpec((1, 32), lambda i: (0, 0)),
        ],
        out_specs=pl.BlockSpec((1, 64, 64, 32), lambda i: (i, 0, 0, 0)),
        out_shape=jax.ShapeDtypeStruct((30, 64, 64, 32), jnp.float32),
        scratch_shapes=[
            pltpu.VMEM((4096, 64), jnp.float32),
            pltpu.VMEM((66, 66, 64), jnp.float32),
            pltpu.VMEM((4096, 32), jnp.float32),
        ],
    )(up1p, w1, b1, w2, b2)


def kernel(x, conv1_w, conv1_b, ggd_w, ggd_b, conv2_w, conv2_b, vel_w1,
           vel_b1, vel_w2, vel_b2, dec1_w, dec1_b, ggu_w, ggu_b, dec3_w,
           dec3_b):
    x_orig = x
    x = x * 2.0 - 1.0
    xh = jnp.transpose(x, (0, 2, 3, 1))
    h = jax.nn.relu(_conv2d_nhwc(xh, conv1_w, conv1_b, reflect=True))
    h = jax.nn.relu(_conv2d_nhwc(h, ggd_w, ggd_b, reflect=False))
    h = _avgpool2_nhwc(h)
    h = jax.nn.relu(h)
    h = jax.nn.relu(_conv2d_nhwc(h, conv2_w, conv2_b, reflect=True))
    h = _avgpool2_nhwc(h)
    x_part = jnp.transpose(h.reshape(_B, _N, _C), (0, 2, 1))

    pos = _uniform_grid(_B, 32, 32).reshape(_B, 2, _N)
    d = jnp.einsum('bci,bcj->bij', pos, pos)
    _, knn_ind = lax.top_k(-d, _KNN)
    idx = jnp.transpose(knn_ind, (0, 2, 1))[0]

    frames = _sc_gather_steps(x_part.reshape(_ROWS, _N), idx)
    y = jnp.transpose(frames, (0, 1, 3, 2)).reshape(_B * _NF, 32, 32, _C)

    y = _up_pad(y)
    y = _dec_convs(y, jnp.transpose(dec1_w, (2, 3, 1, 0)), dec1_b[None, :],
                   jnp.transpose(ggu_w, (2, 3, 1, 0)), ggu_b[None, :])
    y = _up_pad(y)
    y = lax.conv_general_dilated(y, jnp.transpose(dec3_w, (2, 3, 1, 0)),
                                 (1, 1), 'VALID',
                                 dimension_numbers=('NHWC', 'HWIO', 'NHWC'))
    y = jnp.tanh(y + dec3_b[None, None, None, :])
    y = jnp.transpose(y, (0, 3, 1, 2)).reshape(_B, _NF, 3, 128, 128)
    y = (y + 1.0) / 2.0
    return jnp.concatenate([x_orig[:, None], y], axis=1)

# --- scband reference (transcript-rebuilt; emitter-appended) ---
"""Pipeline reference for scband-lhc-63806034150143 (READ-ONLY COPY).

The authoritative reference and input builder live on the scoring server;
editing this copy changes nothing except your own understanding.
"""

import jax, jax.numpy as jnp
import numpy as np
import math

B = 2
IMG = 128
LATENT = 32
NGF = 32
NPF = 32
KNN = 8
NFRAMES = 16
NF = NFRAMES - 1
STEPS = 1


def conv2d(x, w, b, reflect=False):
    if reflect:
        x = jnp.pad(x, ((0, 0), (0, 0), (1, 1), (1, 1)), mode='reflect')
        pad = 'VALID'
    else:
        pad = ((1, 1), (1, 1))
    y = jax.lax.conv_general_dilated(x, w, (1, 1), pad, dimension_numbers=('NCHW', 'OIHW', 'NCHW'))
    return y + b[None, :, None, None]


def avgpool2(x):
    return jax.lax.reduce_window(x, 0.0, jax.lax.add, (1, 1, 2, 2), (1, 1, 2, 2), 'VALID') / 4.0


def upsample2(x):
    return jnp.repeat(jnp.repeat(x, 2, axis=2), 2, axis=3)


def uniform_grid(b, w, h):
    px = jnp.linspace(-1.0, 1.0, w, dtype=jnp.float32)
    py = jnp.linspace(-1.0, 1.0, h, dtype=jnp.float32)
    gx = jnp.broadcast_to(px[:, None], (w, h))
    gy = jnp.broadcast_to(py[None, :], (w, h))
    g = jnp.stack([gx, gy], axis=0)
    return jnp.broadcast_to(g[None], (b, 2, w, h))


def setup_inputs(seed: int = 0):
    key = jax.random.key(seed)
    ks = jax.random.split(key, 10)
    def w(k, shape, scale=0.08):
        return jax.random.normal(k, shape, dtype=jnp.float32) * scale
    inp = {}
    inp['x'] = jax.random.uniform(ks[0], (B, 3, IMG, IMG), dtype=jnp.float32)
    inp['conv1_w'] = w(ks[1], (NGF, 3, 3, 3));        inp['conv1_b'] = jnp.zeros((NGF,), jnp.float32)
    inp['ggd_w'] = w(ks[2], (NGF * 2, NGF, 3, 3));    inp['ggd_b'] = jnp.zeros((NGF * 2,), jnp.float32)
    inp['conv2_w'] = w(ks[3], (NPF, NGF * 2, 3, 3));  inp['conv2_b'] = jnp.zeros((NPF,), jnp.float32)
    inp['vel_w1'] = w(ks[4], (NPF // 2, NPF));        inp['vel_b1'] = jnp.zeros((NPF // 2,), jnp.float32)
    inp['vel_w2'] = w(ks[5], (2, NPF // 2));          inp['vel_b2'] = jnp.zeros((2,), jnp.float32)
    inp['dec1_w'] = w(ks[6], (NGF * 2, NPF, 3, 3));   inp['dec1_b'] = jnp.zeros((NGF * 2,), jnp.float32)
    inp['ggu_w'] = w(ks[7], (NGF, NGF * 2, 3, 3));    inp['ggu_b'] = jnp.zeros((NGF,), jnp.float32)
    inp['dec3_w'] = w(ks[8], (3, NGF, 3, 3));         inp['dec3_b'] = jnp.zeros((3,), jnp.float32)
    return inp


def _forward(x, conv1_w, conv1_b, ggd_w, ggd_b, conv2_w, conv2_b, vel_w1, vel_b1, vel_w2, vel_b2, dec1_w, dec1_b, ggu_w, ggu_b, dec3_w, dec3_b):
    x = x * 2.0 - 1.0
    first_frame = x[:, None]
    # encoder
    h = jax.nn.relu(conv2d(x, conv1_w, conv1_b, reflect=True))
    h = jax.nn.relu(conv2d(h, ggd_w, ggd_b, reflect=False))
    h = avgpool2(h)
    h = jax.nn.relu(h)
    h = jax.nn.relu(conv2d(h, conv2_w, conv2_b, reflect=True))
    h = avgpool2(h)  # AdaptiveAvgPool2d 64 -> 32
    Bs, C, W, H = h.shape
    N = W * H
    kernel_scale = 1.0 / math.sqrt(W ** 2 + H ** 2)
    x_part = h.reshape(Bs, C, N)
    ref_pos = uniform_grid(Bs, W, H)
    pos = ref_pos.reshape(Bs, 2, N)
    frames = []
    for i in range(NF):
        for _ in range(STEPS):
            # knn over particle inner-product matrix (symmetric), smallest-k
            d = jnp.einsum('bci,bcj->bij', pos, pos)
            _, knn_ind = jax.lax.top_k(-d, KNN)  # (B, N, KNN)
            idx = jnp.transpose(knn_ind, (0, 2, 1))  # (B, KNN, N)
            idx_b = jnp.broadcast_to(idx[:, None, :, :], (Bs, C, KNN, N))
            arr_b = jnp.broadcast_to(x_part[:, :, None, :], (Bs, C, KNN, N))
            gathered = jnp.take_along_axis(arr_b, idx_b, axis=3)
            x_part = gathered.sum(axis=2) / float(KNN)
            hm = jax.nn.relu(jnp.einsum('oc,bcn->bon', vel_w1, x_part) + vel_b1[None, :, None])
            v = jnp.tanh(jnp.einsum('oc,bcn->bon', vel_w2, hm) + vel_b2[None, :, None])  # computed but unused, as in original
        pos_grid = pos.reshape(Bs, 2, W, H)
        dist = jnp.broadcast_to(((pos_grid - ref_pos) ** 2).sum(axis=1)[:, None, :, :], (Bs, N, W, H))
        kdist = jnp.clip(1.0 - dist * kernel_scale, 0.0, None)  # LinearKernel
        xg = x_part.reshape(Bs, C, W, H)
        sample = jnp.einsum('bnwh,bcwh->bcwh', kdist, xg)  # sum over particle dim
        frames.append(sample)
    y = jnp.stack(frames, axis=0)
    y = jnp.transpose(y, (1, 0, 2, 3, 4)).reshape(Bs * NF, C, W, H)
    # decoder
    y = upsample2(y)
    y = jax.nn.relu(conv2d(y, dec1_w, dec1_b, reflect=True))
    y = jax.nn.relu(conv2d(y, ggu_w, ggu_b, reflect=False))
    y = upsample2(y)
    y = jax.nn.relu(y)
    y = jnp.tanh(conv2d(y, dec3_w, dec3_b, reflect=True))
    Wf, Hf = first_frame.shape[-2], first_frame.shape[-1]
    y = y.reshape(Bs, NF, 3, Wf, Hf)
    y = jnp.concatenate([first_frame, y], axis=1)
    return (y + 1.0) / 2.0


def reference(x, conv1_w, conv1_b, ggd_w, ggd_b, conv2_w, conv2_b, vel_w1, vel_b1, vel_w2, vel_b2, dec1_w, dec1_b, ggu_w, ggu_b, dec3_w, dec3_b):
    return _forward(x, conv1_w, conv1_b, ggd_w, ggd_b, conv2_w, conv2_b, vel_w1, vel_b1, vel_w2, vel_b2, dec1_w, dec1_b, ggu_w, ggu_b, dec3_w, dec3_b)

if __name__ == "__main__":
    import jax
    _d = setup_inputs()
    print(jax.jit(kernel)(*tuple(_d.values())))

</pallas_src>

<mosaic_0001>
#map = affine_map<(d0, d1) -> (0, 0)>
#map1 = affine_map<(d0, d1) -> (0, 0, 0, 0)>
module attributes {stable_mosaic.version = 14 : i64} {
  func.func @_sc_body(%arg0: i32, %arg1: i32, %arg2: memref<64x1024xf32, #tpu.memory_space<hbm>>, %arg3: memref<8x1024xi32, #tpu.memory_space<hbm>>, %arg4: memref<2x15x32x1024xf32, #tpu.memory_space<hbm>>, %arg5: memref<8x1024xi32, #tpu.memory_space<vmem>>, %arg6: memref<1024xf32, #tpu.memory_space<vmem>>, %arg7: memref<1024xf32, #tpu.memory_space<vmem>>, %arg8: memref<1024xf32, #tpu.memory_space<vmem>>, %arg9: memref<1024xf32, #tpu.memory_space<vmem>>) attributes {dimension_semantics = [#tpu.dimension_semantics<core_parallel>, #tpu.dimension_semantics<subcore_parallel>], iteration_bounds = array<i64: 2, 16>, scalar_prefetch = 0 : i64, scratch_operands = 5 : i64, tpu.core_type = #tpu.core_type<sc_vector_subcore>, window_params = [{transform_indices = #map}, {transform_indices = #map}, {transform_indices = #map1}]} {
    %mul3A = arith.constant 2 : i32
    %mul3A_0 = arith.muli %arg1, %mul3A : i32
    %add3A = arith.addi %mul3A_0, %arg0 : i32
    "tpu.region"() ({
      %run_scoped3A = tpu.sem_alloc : memref<!tpu.dma_semaphore, #tpu.memory_space<semaphore_mem>>
      tpu.enqueue_dma source(%arg3 : memref<8x1024xi32, #tpu.memory_space<hbm>>) target(%arg5 : memref<8x1024xi32, #tpu.memory_space<vmem>>) target_semaphore(%run_scoped3A : memref<!tpu.dma_semaphore, #tpu.memory_space<semaphore_mem>>)
      tpu.wait_dma2 semaphore(%run_scoped3A : memref<!tpu.dma_semaphore, #tpu.memory_space<semaphore_mem>>) src(%arg3 : memref<8x1024xi32, #tpu.memory_space<hbm>>) dst(%arg5 : memref<8x1024xi32, #tpu.memory_space<vmem>>)
      tpu.yield
    }) : () -> ()
    %mul3A_1 = arith.constant 2 : i32
    %mul3A_2 = arith.muli %mul3A_1, %add3A : i32
    %add3A_3 = arith.constant 0 : i32
    %add3A_4 = arith.addi %mul3A_2, %add3A_3 : i32
    "tpu.region"() ({
      %run_scoped3A = tpu.sem_alloc : memref<!tpu.dma_semaphore, #tpu.memory_space<semaphore_mem>>
      %dma_start3A = arith.constant 0 : i32
      %dma_start3A_13 = tpu.memref_slice %arg2[%add3A_4, %dma_start3A] : memref<64x1024xf32, #tpu.memory_space<hbm>> -> memref<1x1024xf32, #tpu.memory_space<hbm>>
      %dma_start3A_14 = tpu.memref_squeeze %dma_start3A_13 : memref<1x1024xf32, #tpu.memory_space<hbm>> -> memref<1024xf32, #tpu.memory_space<hbm>>
      %dma_start3A_15 = arith.constant 0 : i32
      %dma_start3A_16 = tpu.memref_slice %arg2[%add3A_4, %dma_start3A_15] : memref<64x1024xf32, #tpu.memory_space<hbm>> -> memref<1x1024xf32, #tpu.memory_space<hbm>>
      %dma_start3A_17 = tpu.memref_squeeze %dma_start3A_16 : memref<1x1024xf32, #tpu.memory_space<hbm>> -> memref<1024xf32, #tpu.memory_space<hbm>>
      tpu.enqueue_dma source(%dma_start3A_17 : memref<1024xf32, #tpu.memory_space<hbm>>) target(%arg6 : memref<1024xf32, #tpu.memory_space<vmem>>) target_semaphore(%run_scoped3A : memref<!tpu.dma_semaphore, #tpu.memory_space<semaphore_mem>>)
      %dma_wait3A = arith.constant 0 : i32
      %dma_wait3A_18 = tpu.memref_slice %arg2[%add3A_4, %dma_wait3A] : memref<64x1024xf32, #tpu.memory_space<hbm>> -> memref<1x1024xf32, #tpu.memory_space<hbm>>
      %dma_wait3A_19 = tpu.memref_squeeze %dma_wait3A_18 : memref<1x1024xf32, #tpu.memory_space<hbm>> -> memref<1024xf32, #tpu.memory_space<hbm>>
      %dma_wait3A_20 = arith.constant 0 : i32
      %dma_wait3A_21 = tpu.memref_slice %arg2[%add3A_4, %dma_wait3A_20] : memref<64x1024xf32, #tpu.memory_space<hbm>> -> memref<1x1024xf32, #tpu.memory_space<hbm>>
      %dma_wait3A_22 = tpu.memref_squeeze %dma_wait3A_21 : memref<1x1024xf32, #tpu.memory_space<hbm>> -> memref<1024xf32, #tpu.memory_space<hbm>>
      tpu.wait_dma2 semaphore(%run_scoped3A : memref<!tpu.dma_semaphore, #tpu.memory_space<semaphore_mem>>) src(%dma_wait3A_22 : memref<1024xf32, #tpu.memory_space<hbm>>) dst(%arg6 : memref<1024xf32, #tpu.memory_space<vmem>>)
      tpu.yield
    }) : () -> ()
    %mul3A_5 = arith.constant 2 : i32
    %mul3A_6 = arith.muli %mul3A_5, %add3A : i32
    %add3A_7 = arith.constant 1 : i32
    %add3A_8 = arith.addi %mul3A_6, %add3A_7 : i32
    "tpu.region"() ({
      %run_scoped3A = tpu.sem_alloc : memref<!tpu.dma_semaphore, #tpu.memory_space<semaphore_mem>>
      %dma_start3A = arith.constant 0 : i32
      %dma_start3A_13 = tpu.memref_slice %arg2[%add3A_8, %dma_start3A] : memref<64x1024xf32, #tpu.memory_space<hbm>> -> memref<1x1024xf32, #tpu.memory_space<hbm>>
      %dma_start3A_14 = tpu.memref_squeeze %dma_start3A_13 : memref<1x1024xf32, #tpu.memory_space<hbm>> -> memref<1024xf32, #tpu.memory_space<hbm>>
      %dma_start3A_15 = arith.constant 0 : i32
      %dma_start3A_16 = tpu.memref_slice %arg2[%add3A_8, %dma_start3A_15] : memref<64x1024xf32, #tpu.memory_space<hbm>> -> memref<1x1024xf32, #tpu.memory_space<hbm>>
      %dma_start3A_17 = tpu.memref_squeeze %dma_start3A_16 : memref<1x1024xf32, #tpu.memory_space<hbm>> -> memref<1024xf32, #tpu.memory_space<hbm>>
      tpu.enqueue_dma source(%dma_start3A_17 : memref<1024xf32, #tpu.memory_space<hbm>>) target(%arg8 : memref<1024xf32, #tpu.memory_space<vmem>>) target_semaphore(%run_scoped3A : memref<!tpu.dma_semaphore, #tpu.memory_space<semaphore_mem>>)
      %dma_wait3A = arith.constant 0 : i32
      %dma_wait3A_18 = tpu.memref_slice %arg2[%add3A_8, %dma_wait3A] : memref<64x1024xf32, #tpu.memory_space<hbm>> -> memref<1x1024xf32, #tpu.memory_space<hbm>>
      %dma_wait3A_19 = tpu.memref_squeeze %dma_wait3A_18 : memref<1x1024xf32, #tpu.memory_space<hbm>> -> memref<1024xf32, #tpu.memory_space<hbm>>
      %dma_wait3A_20 = arith.constant 0 : i32
      %dma_wait3A_21 = tpu.memref_slice %arg2[%add3A_8, %dma_wait3A_20] : memref<64x1024xf32, #tpu.memory_space<hbm>> -> memref<1x1024xf32, #tpu.memory_space<hbm>>
      %dma_wait3A_22 = tpu.memref_squeeze %dma_wait3A_21 : memref<1x1024xf32, #tpu.memory_space<hbm>> -> memref<1024xf32, #tpu.memory_space<hbm>>
      tpu.wait_dma2 semaphore(%run_scoped3A : memref<!tpu.dma_semaphore, #tpu.memory_space<semaphore_mem>>) src(%dma_wait3A_22 : memref<1024xf32, #tpu.memory_space<hbm>>) dst(%arg8 : memref<1024xf32, #tpu.memory_space<vmem>>)
      tpu.yield
    }) : () -> ()
    %scan3A = arith.constant 0 : i32
    %scan3A_9 = arith.constant 15 : i32
    %scan3A_10 = arith.addi %scan3A, %scan3A_9 : i32
    %scan3A_11 = arith.constant 1 : i32
    scf.for %scan3A_13 = %scan3A to %scan3A_10 step %scan3A_11  : i32 {
      %eq3A = arith.constant 0 : i32
      %eq3A_14 = arith.cmpi eq, %scan3A_13, %eq3A : i32
      %jit3A = arith.constant 1.280000e+02 : f32
      %jit3A_15 = arith.constant 1.250000e-01 : f32
      %select_n3A = arith.select %eq3A_14, %jit3A, %jit3A_15 : f32
      %scan3A_16 = arith.constant 0 : i32
      %scan3A_17 = arith.constant 64 : i32
      %scan3A_18 = arith.addi %scan3A_16, %scan3A_17 : i32
      %scan3A_19 = arith.constant 1 : i32
      scf.for %scan3A_117 = %scan3A_16 to %scan3A_18 step %scan3A_19  : i32 {
        %mul3A_118 = arith.constant 16 : i32
        %mul3A_119 = arith.muli %scan3A_117, %mul3A_118 : i32
        %multiple_of3A = tpu.assume_multiple %mul3A_119, 16 : i32
        %get3A = arith.constant 0 : i32
        %get3A_120 = arith.index_cast %get3A : i32 to index
        %get3A_121 = arith.index_cast %multiple_of3A : i32 to index
        %get3A_122 = tpu.vector_load %arg5[%get3A_120, %get3A_121] {strides = array<i32>} : memref<8x1024xi32, #tpu.memory_space<vmem>>, vector<16xi32>,
        %gather3A = tpu.vector_load_idx %arg6[%get3A_122] : memref<1024xf32, #tpu.memory_space<vmem>>[vector<16xi32>], vector<16xf32>,
        %get3A_123 = arith.constant 1 : i32
        %get3A_124 = arith.index_cast %get3A_123 : i32 to index
        %get3A_125 = arith.index_cast %multiple_of3A : i32 to index
        %get3A_126 = tpu.vector_load %arg5[%get3A_124, %get3A_125] {strides = array<i32>} : memref<8x1024xi32, #tpu.memory_space<vmem>>, vector<16xi32>,
        %gather3A_127 = tpu.vector_load_idx %arg6[%get3A_126] : memref<1024xf32, #tpu.memory_space<vmem>>[vector<16xi32>], vector<16xf32>,
        %add3A_128 = arith.addf %gather3A, %gather3A_127 : vector<16xf32>
        %get3A_129 = arith.constant 2 : i32
        %get3A_130 = arith.index_cast %get3A_129 : i32 to index
        %get3A_131 = arith.index_cast %multiple_of3A : i32 to index
        %get3A_132 = tpu.vector_load %arg5[%get3A_130, %get3A_131] {strides = array<i32>} : memref<8x1024xi32, #tpu.memory_space<vmem>>, vector<16xi32>,
        %gather3A_133 = tpu.vector_load_idx %arg6[%get3A_132] : memref<1024xf32, #tpu.memory_space<vmem>>[vector<16xi32>], vector<16xf32>,
        %add3A_134 = arith.addf %add3A_128, %gather3A_133 : vector<16xf32>
        %get3A_135 = arith.constant 3 : i32
        %get3A_136 = arith.index_cast %get3A_135 : i32 to index
        %get3A_137 = arith.index_cast %multiple_of3A : i32 to index
        %get3A_138 = tpu.vector_load %arg5[%get3A_136, %get3A_137] {strides = array<i32>} : memref<8x1024xi32, #tpu.memory_space<vmem>>, vector<16xi32>,
        %gather3A_139 = tpu.vector_load_idx %arg6[%get3A_138] : memref<1024xf32, #tpu.memory_space<vmem>>[vector<16xi32>], vector<16xf32>,
        %add3A_140 = arith.addf %add3A_134, %gather3A_139 : vector<16xf32>
        %get3A_141 = arith.constant 4 : i32
        %get3A_142 = arith.index_cast %get3A_141 : i32 to index
        %get3A_143 = arith.index_cast %multiple_of3A : i32 to index
        %get3A_144 = tpu.vector_load %arg5[%get3A_142, %get3A_143] {strides = array<i32>} : memref<8x1024xi32, #tpu.memory_space<vmem>>, vector<16xi32>,
        %gather3A_145 = tpu.vector_load_idx %arg6[%get3A_144] : memref<1024xf32, #tpu.memory_space<vmem>>[vector<16xi32>], vector<16xf32>,
        %add3A_146 = arith.addf %add3A_140, %gather3A_145 : vector<16xf32>
        %get3A_147 = arith.constant 5 : i32
        %get3A_148 = arith.index_cast %get3A_147 : i32 to index
        %get3A_149 = arith.index_cast %multiple_of3A : i32 to index
        %get3A_150 = tpu.vector_load %arg5[%get3A_148, %get3A_149] {strides = array<i32>} : memref<8x1024xi32, #tpu.memory_space<vmem>>, vector<16xi32>,
        %gather3A_151 = tpu.vector_load_idx %arg6[%get3A_150] : memref<1024xf32, #tpu.memory_space<vmem>>[vector<16xi32>], vector<16xf32>,
        %add3A_152 = arith.addf %add3A_146, %gather3A_151 : vector<16xf32>
        %get3A_153 = arith.constant 6 : i32
        %get3A_154 = arith.index_cast %get3A_153 : i32 to index
        %get3A_155 = arith.index_cast %multiple_of3A : i32 to index
        %get3A_156 = tpu.vector_load %arg5[%get3A_154, %get3A_155] {strides = array<i32>} : memref<8x1024xi32, #tpu.memory_space<vmem>>, vector<16xi32>,
        %gather3A_157 = tpu.vector_load_idx %arg6[%get3A_156] : memref<1024xf32, #tpu.memory_space<vmem>>[vector<16xi32>], vector<16xf32>,
        %add3A_158 = arith.addf %add3A_152, %gather3A_157 : vector<16xf32>
        %get3A_159 = arith.constant 7 : i32
        %get3A_160 = arith.index_cast %get3A_159 : i32 to index
        %get3A_161 = arith.index_cast %multiple_of3A : i32 to index
        %get3A_162 = tpu.vector_load %arg5[%get3A_160, %get3A_161] {strides = array<i32>} : memref<8x1024xi32, #tpu.memory_space<vmem>>, vector<16xi32>,
        %gather3A_163 = tpu.vector_load_idx %arg6[%get3A_162] : memref<1024xf32, #tpu.memory_space<vmem>>[vector<16xi32>], vector<16xf32>,
        %add3A_164 = arith.addf %add3A_158, %gather3A_163 : vector<16xf32>
        %mul3A_165 = vector.broadcast %select_n3A : f32 to vector<16xf32>
        %mul3A_166 = arith.mulf %add3A_164, %mul3A_165 : vector<16xf32>
        %swap3A = arith.index_cast %multiple_of3A : i32 to index
        %swap3A_167 = tpu.vector_load %arg7[%swap3A] {strides = array<i32>} : memref<1024xf32, #tpu.memory_space<vmem>>, vector<16xf32>,
        tpu.vector_store %arg7[%swap3A], %mul3A_166 {strides = array<i32>} : memref<1024xf32, #tpu.memory_space<vmem>>, vector<16xf32>,
      }
      %scan3A_20 = arith.constant 64 : i32
      %mul3A_21 = arith.constant 2 : i32
      %mul3A_22 = arith.muli %mul3A_21, %add3A : i32
      %add3A_23 = arith.constant 0 : i32
      %add3A_24 = arith.addi %mul3A_22, %add3A_23 : i32
      %jit3A_25 = arith.constant 32 : i32
      %div3A = arith.divsi %add3A_24, %jit3A_25 : i32
      %sign3A = arith.constant 0 : i32
      %sign3A_26 = arith.cmpi sgt, %add3A_24, %sign3A : i32
      %sign3A_27 = arith.extui %sign3A_26 : i1 to i32
      %sign3A_28 = arith.constant 0 : i32
      %sign3A_29 = arith.cmpi slt, %add3A_24, %sign3A_28 : i32
      %sign3A_30 = arith.extui %sign3A_29 : i1 to i32
      %sign3A_31 = arith.subi %sign3A_27, %sign3A_30 : i32
      %sign3A_32 = arith.constant 0 : i32
      %sign3A_33 = arith.cmpi sgt, %jit3A_25, %sign3A_32 : i32
      %sign3A_34 = arith.extui %sign3A_33 : i1 to i32
      %sign3A_35 = arith.constant 0 : i32
      %sign3A_36 = arith.cmpi slt, %jit3A_25, %sign3A_35 : i32
      %sign3A_37 = arith.extui %sign3A_36 : i1 to i32
      %sign3A_38 = arith.subi %sign3A_34, %sign3A_37 : i32
      %ne3A = arith.cmpi ne, %sign3A_31, %sign3A_38 : i32
      %rem3A = arith.remsi %add3A_24, %jit3A_25 : i32
      %ne3A_39 = arith.constant 0 : i32
      %ne3A_40 = arith.cmpi ne, %rem3A, %ne3A_39 : i32
      %and3A = arith.andi %ne3A, %ne3A_40 : i1
      %sub3A = arith.constant 1 : i32
      %sub3A_41 = arith.subi %div3A, %sub3A : i32
      %select_n3A_42 = arith.select %and3A, %sub3A_41, %div3A : i32
      %jit3A_43 = arith.constant 32 : i32
      %eq3A_44 = arith.constant 0 : i32
      %eq3A_45 = arith.cmpi eq, %jit3A_43, %eq3A_44 : i32
      %jit3A_46 = arith.constant 1 : i32
      %select_n3A_47 = arith.select %eq3A_45, %jit3A_46, %jit3A_43 : i32
      %rem3A_48 = arith.remsi %add3A_24, %select_n3A_47 : i32
      %ne3A_49 = arith.constant 0 : i32
      %ne3A_50 = arith.cmpi ne, %rem3A_48, %ne3A_49 : i32
      %lt3A = arith.constant 0 : i32
      %lt3A_51 = arith.cmpi slt, %rem3A_48, %lt3A : i32
      %lt3A_52 = arith.constant 0 : i32
      %lt3A_53 = arith.cmpi slt, %select_n3A_47, %lt3A_52 : i32
      %ne3A_54 = arith.xori %lt3A_51, %lt3A_53 : i1
      %and3A_55 = arith.andi %ne3A_54, %ne3A_50 : i1
      %add3A_56 = arith.addi %rem3A_48, %select_n3A_47 : i32
      %select_n3A_57 = arith.select %and3A_55, %add3A_56, %rem3A_48 : i32
      "tpu.region"() ({
        %run_scoped3A = tpu.sem_alloc : memref<!tpu.dma_semaphore, #tpu.memory_space<semaphore_mem>>
        %dma_start3A = arith.constant 0 : i32
        %dma_start3A_117 = tpu.memref_slice %arg4[%select_n3A_42, %scan3A_13, %select_n3A_57, %dma_start3A] : memref<2x15x32x1024xf32, #tpu.memory_space<hbm>> -> memref<1x1x1x1024xf32, #tpu.memory_space<hbm>>
        %dma_start3A_118 = tpu.memref_squeeze %dma_start3A_117 : memref<1x1x1x1024xf32, #tpu.memory_space<hbm>> -> memref<1024xf32, #tpu.memory_space<hbm>>
        %dma_start3A_119 = arith.constant 0 : i32
        %dma_start3A_120 = tpu.memref_slice %arg4[%select_n3A_42, %scan3A_13, %select_n3A_57, %dma_start3A_119] : memref<2x15x32x1024xf32, #tpu.memory_space<hbm>> -> memref<1x1x1x1024xf32, #tpu.memory_space<hbm>>
        %dma_start3A_121 = tpu.memref_squeeze %dma_start3A_120 : memref<1x1x1x1024xf32, #tpu.memory_space<hbm>> -> memref<1024xf32, #tpu.memory_space<hbm>>
        tpu.enqueue_dma source(%arg7 : memref<1024xf32, #tpu.memory_space<vmem>>) target(%dma_start3A_121 : memref<1024xf32, #tpu.memory_space<hbm>>) target_semaphore(%run_scoped3A : memref<!tpu.dma_semaphore, #tpu.memory_space<semaphore_mem>>)
        %dma_wait3A = arith.constant 0 : i32
        %dma_wait3A_122 = tpu.memref_slice %arg4[%select_n3A_42, %scan3A_13, %select_n3A_57, %dma_wait3A] : memref<2x15x32x1024xf32, #tpu.memory_space<hbm>> -> memref<1x1x1x1024xf32, #tpu.memory_space<hbm>>
        %dma_wait3A_123 = tpu.memref_squeeze %dma_wait3A_122 : memref<1x1x1x1024xf32, #tpu.memory_space<hbm>> -> memref<1024xf32, #tpu.memory_space<hbm>>
        %dma_wait3A_124 = arith.constant 0 : i32
        %dma_wait3A_125 = tpu.memref_slice %arg4[%select_n3A_42, %scan3A_13, %select_n3A_57, %dma_wait3A_124] : memref<2x15x32x1024xf32, #tpu.memory_space<hbm>> -> memref<1x1x1x1024xf32, #tpu.memory_space<hbm>>
        %dma_wait3A_126 = tpu.memref_squeeze %dma_wait3A_125 : memref<1x1x1x1024xf32, #tpu.memory_space<hbm>> -> memref<1024xf32, #tpu.memory_space<hbm>>
        tpu.wait_dma2 semaphore(%run_scoped3A : memref<!tpu.dma_semaphore, #tpu.memory_space<semaphore_mem>>) src(%arg7 : memref<1024xf32, #tpu.memory_space<vmem>>) dst(%dma_wait3A_126 : memref<1024xf32, #tpu.memory_space<hbm>>)
        tpu.yield
      }) : () -> ()
      %scan3A_58 = arith.constant 0 : i32
      %scan3A_59 = arith.constant 64 : i32
      %scan3A_60 = arith.addi %scan3A_58, %scan3A_59 : i32
      %scan3A_61 = arith.constant 1 : i32
      scf.for %scan3A_117 = %scan3A_58 to %scan3A_60 step %scan3A_61  : i32 {
        %mul3A_118 = arith.constant 16 : i32
        %mul3A_119 = arith.muli %scan3A_117, %mul3A_118 : i32
        %multiple_of3A = tpu.assume_multiple %mul3A_119, 16 : i32
        %get3A = arith.index_cast %multiple_of3A : i32 to index
        %get3A_120 = tpu.vector_load %arg7[%get3A] {strides = array<i32>} : memref<1024xf32, #tpu.memory_space<vmem>>, vector<16xf32>,
        %swap3A = arith.index_cast %multiple_of3A : i32 to index
        %swap3A_121 = tpu.vector_load %arg6[%swap3A] {strides = array<i32>} : memref<1024xf32, #tpu.memory_space<vmem>>, vector<16xf32>,
        tpu.vector_store %arg6[%swap3A], %get3A_120 {strides = array<i32>} : memref<1024xf32, #tpu.memory_space<vmem>>, vector<16xf32>,
      }
      %scan3A_62 = arith.constant 64 : i32
      %scan3A_63 = arith.constant 0 : i32
      %scan3A_64 = arith.constant 64 : i32
      %scan3A_65 = arith.addi %scan3A_63, %scan3A_64 : i32
      %scan3A_66 = arith.constant 1 : i32
      scf.for %scan3A_117 = %scan3A_63 to %scan3A_65 step %scan3A_66  : i32 {
        %mul3A_118 = arith.constant 16 : i32
        %mul3A_119 = arith.muli %scan3A_117, %mul3A_118 : i32
        %multiple_of3A = tpu.assume_multiple %mul3A_119, 16 : i32
        %get3A = arith.constant 0 : i32
        %get3A_120 = arith.index_cast %get3A : i32 to index
        %get3A_121 = arith.index_cast %multiple_of3A : i32 to index
        %get3A_122 = tpu.vector_load %arg5[%get3A_120, %get3A_121] {strides = array<i32>} : memref<8x1024xi32, #tpu.memory_space<vmem>>, vector<16xi32>,
        %gather3A = tpu.vector_load_idx %arg8[%get3A_122] : memref<1024xf32, #tpu.memory_space<vmem>>[vector<16xi32>], vector<16xf32>,
        %get3A_123 = arith.constant 1 : i32
        %get3A_124 = arith.index_cast %get3A_123 : i32 to index
        %get3A_125 = arith.index_cast %multiple_of3A : i32 to index
        %get3A_126 = tpu.vector_load %arg5[%get3A_124, %get3A_125] {strides = array<i32>} : memref<8x1024xi32, #tpu.memory_space<vmem>>, vector<16xi32>,
        %gather3A_127 = tpu.vector_load_idx %arg8[%get3A_126] : memref<1024xf32, #tpu.memory_space<vmem>>[vector<16xi32>], vector<16xf32>,
        %add3A_128 = arith.addf %gather3A, %gather3A_127 : vector<16xf32>
        %get3A_129 = arith.constant 2 : i32
        %get3A_130 = arith.index_cast %get3A_129 : i32 to index
        %get3A_131 = arith.index_cast %multiple_of3A : i32 to index
        %get3A_132 = tpu.vector_load %arg5[%get3A_130, %get3A_131] {strides = array<i32>} : memref<8x1024xi32, #tpu.memory_space<vmem>>, vector<16xi32>,
        %gather3A_133 = tpu.vector_load_idx %arg8[%get3A_132] : memref<1024xf32, #tpu.memory_space<vmem>>[vector<16xi32>], vector<16xf32>,
        %add3A_134 = arith.addf %add3A_128, %gather3A_133 : vector<16xf32>
        %get3A_135 = arith.constant 3 : i32
        %get3A_136 = arith.index_cast %get3A_135 : i32 to index
        %get3A_137 = arith.index_cast %multiple_of3A : i32 to index
        %get3A_138 = tpu.vector_load %arg5[%get3A_136, %get3A_137] {strides = array<i32>} : memref<8x1024xi32, #tpu.memory_space<vmem>>, vector<16xi32>,
        %gather3A_139 = tpu.vector_load_idx %arg8[%get3A_138] : memref<1024xf32, #tpu.memory_space<vmem>>[vector<16xi32>], vector<16xf32>,
        %add3A_140 = arith.addf %add3A_134, %gather3A_139 : vector<16xf32>
        %get3A_141 = arith.constant 4 : i32
        %get3A_142 = arith.index_cast %get3A_141 : i32 to index
        %get3A_143 = arith.index_cast %multiple_of3A : i32 to index
        %get3A_144 = tpu.vector_load %arg5[%get3A_142, %get3A_143] {strides = array<i32>} : memref<8x1024xi32, #tpu.memory_space<vmem>>, vector<16xi32>,
        %gather3A_145 = tpu.vector_load_idx %arg8[%get3A_144] : memref<1024xf32, #tpu.memory_space<vmem>>[vector<16xi32>], vector<16xf32>,
        %add3A_146 = arith.addf %add3A_140, %gather3A_145 : vector<16xf32>
        %get3A_147 = arith.constant 5 : i32
        %get3A_148 = arith.index_cast %get3A_147 : i32 to index
        %get3A_149 = arith.index_cast %multiple_of3A : i32 to index
        %get3A_150 = tpu.vector_load %arg5[%get3A_148, %get3A_149] {strides = array<i32>} : memref<8x1024xi32, #tpu.memory_space<vmem>>, vector<16xi32>,
        %gather3A_151 = tpu.vector_load_idx %arg8[%get3A_150] : memref<1024xf32, #tpu.memory_space<vmem>>[vector<16xi32>], vector<16xf32>,
        %add3A_152 = arith.addf %add3A_146, %gather3A_151 : vector<16xf32>
        %get3A_153 = arith.constant 6 : i32
        %get3A_154 = arith.index_cast %get3A_153 : i32 to index
        %get3A_155 = arith.index_cast %multiple_of3A : i32 to index
        %get3A_156 = tpu.vector_load %arg5[%get3A_154, %get3A_155] {strides = array<i32>} : memref<8x1024xi32, #tpu.memory_space<vmem>>, vector<16xi32>,
        %gather3A_157 = tpu.vector_load_idx %arg8[%get3A_156] : memref<1024xf32, #tpu.memory_space<vmem>>[vector<16xi32>], vector<16xf32>,
        %add3A_158 = arith.addf %add3A_152, %gather3A_157 : vector<16xf32>
        %get3A_159 = arith.constant 7 : i32
        %get3A_160 = arith.index_cast %get3A_159 : i32 to index
        %get3A_161 = arith.index_cast %multiple_of3A : i32 to index
        %get3A_162 = tpu.vector_load %arg5[%get3A_160, %get3A_161] {strides = array<i32>} : memref<8x1024xi32, #tpu.memory_space<vmem>>, vector<16xi32>,
        %gather3A_163 = tpu.vector_load_idx %arg8[%get3A_162] : memref<1024xf32, #tpu.memory_space<vmem>>[vector<16xi32>], vector<16xf32>,
        %add3A_164 = arith.addf %add3A_158, %gather3A_163 : vector<16xf32>
        %mul3A_165 = vector.broadcast %select_n3A : f32 to vector<16xf32>
        %mul3A_166 = arith.mulf %add3A_164, %mul3A_165 : vector<16xf32>
        %swap3A = arith.index_cast %multiple_of3A : i32 to index
        %swap3A_167 = tpu.vector_load %arg9[%swap3A] {strides = array<i32>} : memref<1024xf32, #tpu.memory_space<vmem>>, vector<16xf32>,
        tpu.vector_store %arg9[%swap3A], %mul3A_166 {strides = array<i32>} : memref<1024xf32, #tpu.memory_space<vmem>>, vector<16xf32>,
      }
      %scan3A_67 = arith.constant 64 : i32
      %mul3A_68 = arith.constant 2 : i32
      %mul3A_69 = arith.muli %mul3A_68, %add3A : i32
      %add3A_70 = arith.constant 1 : i32
      %add3A_71 = arith.addi %mul3A_69, %add3A_70 : i32
      %jit3A_72 = arith.constant 32 : i32
      %div3A_73 = arith.divsi %add3A_71, %jit3A_72 : i32
      %sign3A_74 = arith.constant 0 : i32
      %sign3A_75 = arith.cmpi sgt, %add3A_71, %sign3A_74 : i32
      %sign3A_76 = arith.extui %sign3A_75 : i1 to i32
      %sign3A_77 = arith.constant 0 : i32
      %sign3A_78 = arith.cmpi slt, %add3A_71, %sign3A_77 : i32
      %sign3A_79 = arith.extui %sign3A_78 : i1 to i32
      %sign3A_80 = arith.subi %sign3A_76, %sign3A_79 : i32
      %sign3A_81 = arith.constant 0 : i32
      %sign3A_82 = arith.cmpi sgt, %jit3A_72, %sign3A_81 : i32
      %sign3A_83 = arith.extui %sign3A_82 : i1 to i32
      %sign3A_84 = arith.constant 0 : i32
      %sign3A_85 = arith.cmpi slt, %jit3A_72, %sign3A_84 : i32
      %sign3A_86 = arith.extui %sign3A_85 : i1 to i32
      %sign3A_87 = arith.subi %sign3A_83, %sign3A_86 : i32
      %ne3A_88 = arith.cmpi ne, %sign3A_80, %sign3A_87 : i32
      %rem3A_89 = arith.remsi %add3A_71, %jit3A_72 : i32
      %ne3A_90 = arith.constant 0 : i32
      %ne3A_91 = arith.cmpi ne, %rem3A_89, %ne3A_90 : i32
      %and3A_92 = arith.andi %ne3A_88, %ne3A_91 : i1
      %sub3A_93 = arith.constant 1 : i32
      %sub3A_94 = arith.subi %div3A_73, %sub3A_93 : i32
      %select_n3A_95 = arith.select %and3A_92, %sub3A_94, %div3A_73 : i32
      %jit3A_96 = arith.constant 32 : i32
      %eq3A_97 = arith.constant 0 : i32
      %eq3A_98 = arith.cmpi eq, %jit3A_96, %eq3A_97 : i32
      %jit3A_99 = arith.constant 1 : i32
      %select_n3A_100 = arith.select %eq3A_98, %jit3A_99, %jit3A_96 : i32
      %rem3A_101 = arith.remsi %add3A_71, %select_n3A_100 : i32
      %ne3A_102 = arith.constant 0 : i32
      %ne3A_103 = arith.cmpi ne, %rem3A_101, %ne3A_102 : i32
      %lt3A_104 = arith.constant 0 : i32
      %lt3A_105 = arith.cmpi slt, %rem3A_101, %lt3A_104 : i32
      %lt3A_106 = arith.constant 0 : i32
      %lt3A_107 = arith.cmpi slt, %select_n3A_100, %lt3A_106 : i32
      %ne3A_108 = arith.xori %lt3A_105, %lt3A_107 : i1
      %and3A_109 = arith.andi %ne3A_108, %ne3A_103 : i1
      %add3A_110 = arith.addi %rem3A_101, %select_n3A_100 : i32
      %select_n3A_111 = arith.select %and3A_109, %add3A_110, %rem3A_101 : i32
      "tpu.region"() ({
        %run_scoped3A = tpu.sem_alloc : memref<!tpu.dma_semaphore, #tpu.memory_space<semaphore_mem>>
        %dma_start3A = arith.constant 0 : i32
        %dma_start3A_117 = tpu.memref_slice %arg4[%select_n3A_95, %scan3A_13, %select_n3A_111, %dma_start3A] : memref<2x15x32x1024xf32, #tpu.memory_space<hbm>> -> memref<1x1x1x1024xf32, #tpu.memory_space<hbm>>
        %dma_start3A_118 = tpu.memref_squeeze %dma_start3A_117 : memref<1x1x1x1024xf32, #tpu.memory_space<hbm>> -> memref<1024xf32, #tpu.memory_space<hbm>>
        %dma_start3A_119 = arith.constant 0 : i32
        %dma_start3A_120 = tpu.memref_slice %arg4[%select_n3A_95, %scan3A_13, %select_n3A_111, %dma_start3A_119] : memref<2x15x32x1024xf32, #tpu.memory_space<hbm>> -> memref<1x1x1x1024xf32, #tpu.memory_space<hbm>>
        %dma_start3A_121 = tpu.memref_squeeze %dma_start3A_120 : memref<1x1x1x1024xf32, #tpu.memory_space<hbm>> -> memref<1024xf32, #tpu.memory_space<hbm>>
        tpu.enqueue_dma source(%arg9 : memref<1024xf32, #tpu.memory_space<vmem>>) target(%dma_start3A_121 : memref<1024xf32, #tpu.memory_space<hbm>>) target_semaphore(%run_scoped3A : memref<!tpu.dma_semaphore, #tpu.memory_space<semaphore_mem>>)
        %dma_wait3A = arith.constant 0 : i32
        %dma_wait3A_122 = tpu.memref_slice %arg4[%select_n3A_95, %scan3A_13, %select_n3A_111, %dma_wait3A] : memref<2x15x32x1024xf32, #tpu.memory_space<hbm>> -> memref<1x1x1x1024xf32, #tpu.memory_space<hbm>>
        %dma_wait3A_123 = tpu.memref_squeeze %dma_wait3A_122 : memref<1x1x1x1024xf32, #tpu.memory_space<hbm>> -> memref<1024xf32, #tpu.memory_space<hbm>>
        %dma_wait3A_124 = arith.constant 0 : i32
        %dma_wait3A_125 = tpu.memref_slice %arg4[%select_n3A_95, %scan3A_13, %select_n3A_111, %dma_wait3A_124] : memref<2x15x32x1024xf32, #tpu.memory_space<hbm>> -> memref<1x1x1x1024xf32, #tpu.memory_space<hbm>>
        %dma_wait3A_126 = tpu.memref_squeeze %dma_wait3A_125 : memref<1x1x1x1024xf32, #tpu.memory_space<hbm>> -> memref<1024xf32, #tpu.memory_space<hbm>>
        tpu.wait_dma2 semaphore(%run_scoped3A : memref<!tpu.dma_semaphore, #tpu.memory_space<semaphore_mem>>) src(%arg9 : memref<1024xf32, #tpu.memory_space<vmem>>) dst(%dma_wait3A_126 : memref<1024xf32, #tpu.memory_space<hbm>>)
        tpu.yield
      }) : () -> ()
      %scan3A_112 = arith.constant 0 : i32
      %scan3A_113 = arith.constant 64 : i32
      %scan3A_114 = arith.addi %scan3A_112, %scan3A_113 : i32
      %scan3A_115 = arith.constant 1 : i32
      scf.for %scan3A_117 = %scan3A_112 to %scan3A_114 step %scan3A_115  : i32 {
        %mul3A_118 = arith.constant 16 : i32
        %mul3A_119 = arith.muli %scan3A_117, %mul3A_118 : i32
        %multiple_of3A = tpu.assume_multiple %mul3A_119, 16 : i32
        %get3A = arith.index_cast %multiple_of3A : i32 to index
        %get3A_120 = tpu.vector_load %arg9[%get3A] {strides = array<i32>} : memref<1024xf32, #tpu.memory_space<vmem>>, vector<16xf32>,
        %swap3A = arith.index_cast %multiple_of3A : i32 to index
        %swap3A_121 = tpu.vector_load %arg8[%swap3A] {strides = array<i32>} : memref<1024xf32, #tpu.memory_space<vmem>>, vector<16xf32>,
        tpu.vector_store %arg8[%swap3A], %get3A_120 {strides = array<i32>} : memref<1024xf32, #tpu.memory_space<vmem>>, vector<16xf32>,
      }
      %scan3A_116 = arith.constant 64 : i32
    }
    %scan3A_12 = arith.constant 15 : i32
    return
  }
}

</mosaic_0001>

<sc_bundles>
// kernel: _sc_gather_steps.3.cloned.1.call-start
scs
__scs_entry_jumppad:
0x0: {  	(pc) =	sbr.rel $0x88, $3  }
0x1: {  	(tag) =	ssettag $0x0;
	lr =	simm.s32 $0x1  }
0x2: {  	[smem:$0x3F9F] =	sst lr;
	_ =	strace $0xD0000000  }
0x3: {  	_ = 	snop  }
0x4: {  	_ = 	snop  }
0x5: {  	_ = 	snop  }
0x6: {  	_ = 	snop  }
0x7: {  	_ = 	snop  }
__scs_overlays_trampoline_lowered:
0x8: {  	[smem:$0x3FAE] =	sst s0  }
0x9: {  	[smem:$0x3FAF] =	sst s1  }
0xa: {  	[smem:$0x3FB0] =	sst s2  }
0xb: {  	[smem:$0x3FB1] =	sst s3  }
0xc: {  	[smem:$0x3FB2] =	sst s4  }
0xd: {  	[smem:$0x3FB3] =	sst s5  }
0xe: {  	[smem:$0x3FB4] =	sst s6  }
0xf: {  	[smem:$0x3FB5] =	sst s7  }
0x10: {  	[smem:$0x3FB6] =	sst s8  }
0x11: {  	[smem:$0x3FB7] =	sst s9;
	s0 =	simm.s32 @!p0 $0x0  }
0x12: {  	s1 =	sld [smem:$0x3F9D];
	s0 =	simm.s32 @p0 $0x1  }
0x13: {  	[smem:$0x3FB8] =	sst s0;
	s0 =	simm.s32 @!p1 $0x0  }
0x14: {  	s2 =	sld [smem:$0x3F9C];
	s0 =	simm.s32 @p1 $0x1  }
0x15: {  	[smem:$0x3FB9] =	sst s0;
	s0 =	simm.s32 @!p2 $0x0  }
0x16: {  	s3 =	sld [smem:$0x3FDB];
	s0 =	simm.s32 @p2 $0x1  }
0x17: {  	s4 =	simm.s32 $0x1BF5;
	[smem:$0x3FBB] =	sst s0  }
0x18: {  	s0 =	sld [smem:$0x3F9E];
	_ =	swait.ge [sflag:s4], $0x0  }
0x19: {  	s7 =	sld [smem:$0x3F9F]  }
0x1a: {  	s8 =	sadd.s32 $0xFFFFE003, lr  }
0x1b: {  	s9 =	sadd.s32 $0xFFFFFEF7, lr;
	s5 =	simm.s32 $0xFFFFFFFF;
	p2 =	slt.u32 s8, $0xFFFFF086  }
0x1c: {  	p1 =	slt.u32 s9, $0xF7A;
	s5 =	simm.s32 @!p2 $0x0  }
0x1d: {  	s5 =	simm.s32 @p1 $0x1;
	p0 =	seq.s32 s7, s2  }
0x1e: {  	s7 =	smul.u32 @!p0 $0xF7A, s2;
	p2 =	seq.s32 @!p0 s5, $0x0  }
0x1f: {  	s9 =	smul.u32 $0xF7A, s1;
	s8 =	simm.s32 @!p0 $0x1BF5;
	p2 =	por !p2, p0  }
0x20: {  	[sflag:s8] =	ssyncset.s32 @!p0 $0xFFFFF086;
	s6 =	sadd.s32 @!p0 s3, s7;
	s7 =	simm.s32 @!p0 $0x108  }
0x21: {  	s3 =	sadd.s32 s3, s9;
	s6 =	sadd.s32 @!p0 $0x88, s6;
	s7 =	simm.s32 @p2 $0x1082  }
0x22: {  	[simem:s7], [sflag:s8] =	dma.local @!p0 [hbm:s6], $0xF7A  }
0x23: {  	s9 =	sor.u32 $0xD0000000, s2;
	s6 =	simm.s32 $0x108;
	_ =	swait.ge @!p0 [sflag:s8], $0x0  }
0x24: {  	s3 =	sadd.s32 $0x88, s3;
	s6 =	simm.s32 @!p1 $0x1082;
	[sflag:s4] =	ssyncset.s32 $0xFFFFF086  }
0x25: {  	[simem:s6], [sflag:s4] =	dma.local [hbm:s3], $0xF7A  }
0x26: {  	[smem:$0x3F9F] =	sst s1;
	(tag) =	ssettag s2;
	_ =	strace s9  }
0x27: {  	s1 =	sld [smem:$0x3FAF]  }
0x28: {  	s2 =	sld [smem:$0x3FB0]  }
0x29: {  	s4 =	sld [smem:$0x3FB2]  }
0x2a: {  	p0 =	seq.s32 s5, $0x0;
	s5 =	sld [smem:$0x3FB3]  }
0x2b: {  	s6 =	sld [smem:$0x3FB4]  }
0x2c: {  	s7 =	sld [smem:$0x3FB5]  }
0x2d: {  	s3 =	simm.s32 $0x108;
	s8 =	sld [smem:$0x3FB6]  }
0x2e: {  	s3 =	simm.s32 @!p0 $0x1082;
	s9 =	sld [smem:$0x3FB7]  }
0x2f: {  	lr =	sadd.s32 s0, s3;
	s0 =	sld [smem:$0x3FAE]  }
0x30: {  	s3 =	sld [smem:$0x3FB1]  }
0x31: {  	[smem:$0x3FBA] =	sst s10  }
0x32: {  	s10 =	sld [smem:$0x3FB8];
	_ =	sdelay $0x3  }
0x33: {  	p0 =	seq.s32 s10, $0x1;
	s10 =	sld [smem:$0x3FBA];
	_ =	sdelay $0x3  }
0x34: {  	[smem:$0x3FBA] =	sst s10  }
0x35: {  	s10 =	sld [smem:$0x3FB9];
	_ =	sdelay $0x3  }
0x36: {  	p1 =	seq.s32 s10, $0x1;
	s10 =	sld [smem:$0x3FBA];
	_ =	sdelay $0x3  }
0x37: {  	[smem:$0x3FBA] =	sst s10  }
0x38: {  	s10 =	sld [smem:$0x3FBB]  }
0x39: {  	_ = 	snop;
	(pc) =	sbr.ind lr, $3  }
0x3a: {  	_ = 	snop  }
0x3b: {  	_ = 	snop  }
0x3c: {  	p2 =	seq.s32 s10, $0x1;
	s10 =	sld [smem:$0x3FBA]  }
0x3d: {  	_ =	shalt  }
0x3e: {  	_ =	shalt  }
0x3f: {  	_ =	shalt  }
0x40: {  	_ =	shalt  }
0x41: {  	_ =	shalt  }
0x42: {  	_ =	shalt  }
0x43: {  	_ =	shalt  }
0x44: {  	_ =	shalt  }
0x45: {  	_ =	shalt  }
0x46: {  	_ =	shalt  }
0x47: {  	_ =	shalt  }
0x48: {  	_ =	shalt  }
0x49: {  	_ =	shalt  }
0x4a: {  	_ =	shalt  }
0x4b: {  	_ =	shalt  }
0x4c: {  	_ =	shalt  }
0x4d: {  	_ =	shalt  }
0x4e: {  	_ =	shalt  }
0x4f: {  	_ =	shalt  }
0x50: {  	_ =	shalt  }
0x51: {  	_ =	shalt  }
0x52: {  	_ =	shalt  }
0x53: {  	_ =	shalt  }
0x54: {  	_ =	shalt  }
0x55: {  	_ =	shalt  }
0x56: {  	_ =	shalt  }
0x57: {  	_ =	shalt  }
0x58: {  	_ =	shalt  }
0x59: {  	_ =	shalt  }
0x5a: {  	_ =	shalt  }
0x5b: {  	_ =	shalt  }
0x5c: {  	_ =	shalt  }
0x5d: {  	_ =	shalt  }
0x5e: {  	_ =	shalt  }
0x5f: {  	_ =	shalt  }
0x60: {  	_ =	shalt  }
0x61: {  	_ =	shalt  }
0x62: {  	_ =	shalt  }
0x63: {  	_ =	shalt  }
0x64: {  	_ =	shalt  }
0x65: {  	_ =	shalt  }
0x66: {  	_ =	shalt  }
0x67: {  	_ =	shalt  }
0x68: {  	_ =	shalt  }
0x69: {  	_ =	shalt  }
0x6a: {  	_ =	shalt  }
0x6b: {  	_ =	shalt  }
0x6c: {  	_ =	shalt  }
0x6d: {  	_ =	shalt  }
0x6e: {  	_ =	shalt  }
0x6f: {  	_ =	shalt  }
0x70: {  	_ =	shalt  }
0x71: {  	_ =	shalt  }
0x72: {  	_ =	shalt  }
0x73: {  	_ =	shalt  }
0x74: {  	_ =	shalt  }
0x75: {  	_ =	shalt  }
0x76: {  	_ =	shalt  }
0x77: {  	_ =	shalt  }
0x78: {  	_ =	shalt  }
0x79: {  	_ =	shalt  }
0x7a: {  	_ =	shalt  }
0x7b: {  	_ =	shalt  }
0x7c: {  	_ =	shalt  }
0x7d: {  	_ =	shalt  }
0x7e: {  	_ =	shalt  }
0x7f: {  	_ =	shalt  }
0x80: {  	_ =	shalt  }
0x81: {  	_ =	shalt  }
0x82: {  	_ =	shalt  }
0x83: {  	_ =	shalt  }
0x84: {  	_ =	shalt  }
0x85: {  	_ =	shalt  }
0x86: {  	_ =	shalt  }
0x87: {  	_ =	shalt  }
.Lfunc_end0:
.L_simem_size_0:
called_computation_lowered:
.L_overlay_start_0:
0x88: {  	s2 =	sld [smem:$0x3FD9]  }
0x89: {  	s3 =	sld [smem:$0x3FFE];
	_ =	sdelay $0x1  }
0x8a: {  	s1 =	srdreg.scid  }
0x8b: {  	s0 =	sand.u32 $0x1, s1  }
0x8c: {  	s18 =	sshll.u32 s0, $0xA;
	s2 =	sadd.s32 s3, s2  }
0x8d: {  	s2 =	sadd.s32 s2, s18  }
0x8e: {  	[smem:$0x3FC6] =	sst s2  }
0x8f: {  	_ = 	snop  }
0x90: {  	s2 =	sld [smem:$0x3FC9]  }
0x91: {  	s19 =	sld [smem:$0x3FC8]  }
0x92: {  	s4 =	sld [smem:$0x3FD0];
	(tm) =	ssettm $0x1  }
0x93: {  	s5 =	sld [smem:$0x3FFB];
	_ =	sdelay $0x3  }
0x94: {  	_ =	strace s5  }
0x95: {  	s5 =	sld [smem:$0x3FFC];
	_ =	sdelay $0x3  }
0x96: {  	_ =	strace s5  }
0x97: {  	s5 =	sld [smem:$0x3FFD];
	_ =	sdelay $0x3  }
0x98: {  	_ =	strace s5  }
0x99: {  	_ =	strace $0x8FFFFFFF  }
0x9a: {  	s20 =	sld [smem:$0x3FDB];
	_ =	sdelay $0x1  }
0x9b: {  	s6 =	simm.s32 $_scs_section_size  }
0x9c: {  	s7 =	simm.s32 $_size__tile_overlayer_lowered;
	s8 =	simm.s32 $_tile_overlayer_lowered  }
0x9d: {  	s23 =	simm.s32 $0x1BFF;
	s22 =	sshll.u32 s8, $0x1;
	s5 =	sadd.s32 s6, s20  }
0x9e: {  	s9 =	simm.s32 $0x0;
	s21 =	sshll.u32 s7, $0x1;
	s7 =	sadd.s32 s22, s5  }
0x9f: {  	[timem:s9], [sflag:s23] =	dma.local [hbm:s7], s21  }
0xa0: {  	_ =	swait.ge [sflag:s23], s21  }
0xa1: {  	s6 =	ssub.s32 $0x0, s21;
	[sflag:s23] =	ssyncset.done $0x0  }
0xa2: {  	[sflag:s23] =	ssyncadd.s32 s6;
	_ =	sdelay $0x1  }
0xa3: {  	s24 =	simm.s32 $0x1B8B  }
0xa4: {  	_ =	swait.ge [sflag:s24], $0x1  }
0xa5: {  	[sflag:s24] =	ssyncset.done $0x0  }
0xa6: {  	s25 =	simm.s32 $0x1B8E;
	[sflag:s24] =	ssyncadd.s32 $0xFFFFFFFF  }
0xa7: {  	s26 =	simm.s32 $execute0_lowered;
	[smem:$0x3FD2] =	sst s25  }
0xa8: {  	s6 =	sshll.u32 s26, $0x1;
	_ =	strace $0x80000046;
	[dreg:$0x1] =	wrdreg $0xFFFFFFFF  }
0xa9: {  	s28 =	simm.s32 $_size_execute0_lowered;
	s5 =	sadd.s32 s5, s6;
	[dreg:$0x0] =	wrdreg $0x0  }
0xaa: {  	s6 =	sshll.u32 s28, $0x1;
	[dreg:$0x2] =	wrdreg s5  }
0xab: {  	[dreg:$0x3] =	wrdreg s6  }
0xac: {  	[dreg:$0x4] =	wrdreg $0xC0  }
0xad: {  	_ =	task [dreg:s9], $0x5FFFF  }
0xae: {  	[dreg:$0x1] =	wrdreg $0xFFFFFFFF  }
0xaf: {  	[dreg:$0x0] =	wrdreg $0x60  }
0xb0: {  	[dreg:$0x2] =	wrdreg s2  }
0xb1: {  	[dreg:$0x3] =	wrdreg s19  }
0xb2: {  	[dreg:$0x4] =	wrdreg s4  }
0xb3: {  	[dreg:$0x5] =	wrdreg $0x9  }
0xb4: {  	_ =	task.clear_ibuf [dreg:s9], $0x6FFFF;
	_ =	strace $0x90000046  }
0xb5: {  	s29 =	simm.s32 $0x9;
	_ =	strace $0x80000048  }
0xb6: {  	_ =	swait.ge [sflag:s29], $0x1  }
0xb7: {  	[sflag:s29] =	ssyncadd.s32 $0xFFFFFFFF  }
0xb8: {  	_ =	strace $0x90000048  }
0xb9: {  	_ =	sfence  }
0xba: {  	s30 =	sld [smem:$0x0];
	_ =	sdelay $0x2  }
0xbb: {  	s31 =	sshll.u32 s1, $0xD;
	s1 =	sshrl.u32 s1, $0x2  }
0xbc: {  	s3 =	sand.u32 $0x4000, s31;
	s1 =	sadd.s32 s1, s30  }
0xbd: {  	s0 =	sor.u32 s3, s0;
	s1 =	sshll.u32 s1, $0x11  }
0xbe: {  	s0 =	sor.u32 s1, s0  }
0xbf: {  	s0 =	sadd.s32 $0x8F2B, s0  }
0xc0: {  	[sflag:s0] =	ssyncadd.remote.s32 $0x1  }
0xc1: {  	_ =	sfence.sel $0xFFFF  }
0xc2: {  	[dreg:$0x0] =	wrdreg $0xFFFFFFFF;
	(pc) =	sbr.abs _section_cstart, $3  }
0xc3: {  	[dreg:$0x1] =	wrdreg $0xFFFFFFFF  }
0xc4: {  	_ =	task.clear_ibuf [dreg:s9], $0x2FFFF;
	_ =	strace $0x9FFFFFFF  }
0xc5: {  	(tm) =	ssettm $0x7FFFFFFF  }
tec
execute0_lowered:
.L_overlay_start_1:
0x0: {  	(tag) =	ssettag $0x1  }
0x1: {  	s8 =	rddreg [dreg:$0x0]  }
0x2: {  	s1 =	rddreg [dreg:$0x1]  }
0x3: {  	s2 =	rddreg [dreg:$0x2]  }
0x4: {  	s0 =	rddreg [dreg:$0x3];
	s4 =	simm.s32 $0x0;
	s5 =	srdreg.scid  }
0x5: {  	s3 =	stileid.u32;
	s14 =	simm.s32 $0x2000;
	s15 =	simm.s32 $0x2800  }
0x6: {  	s16 =	simm.s32 $0x2400;
	s17 =	simm.s32 $0x2C00;
	s18 =	simm.s32 $0x0  }
0x7: {  	[smem:$0x7FF] =	sst s4;
	s5 =	sand.u32 $0x1, s5;
	s7 =	sshll.u32 s3, $0x9  }
0x8: {  	s30 =	sshll.u32 s3, $0xC;
	s11 =	sshrl.u32 s3, $0x3;
	_ =	strace $0x80000047  }
0x9: {  	s6 =	ssub.s32 $0x2, s5;
	s5 =	sshll.u32 s5, $0x8;
	s7 =	sand.u32 $0x200, s7  }
0xa: {  	s31 =	sand.u32 $0xE000, s30;
	s9 =	sshrl.u32 s6, $0x1;
	s5 =	sor.u32 s5, s7  }
0xb: {  	s11 =	smul.u32 $0x78000, s11;
	s10 =	ssub.s32 s6, s9;
	s6 =	sor.u32 $0x80, s5  }
0xc: {  	s12 =	sor.u32 s31, s5;
	s9 =	sand.u32 $0x6000, s30;
	s7 =	sor.u32 s31, s6  }
0xd: {  	s12 =	sshrl.u32 s12, $0x3;
	s9 =	sor.u32 s9, s11;
	s10 =	smax.u32 s10, $0x1  }
0xe: {  	s11 =	simm.s32 $0x1;
	s13 =	sshrl.u32 s7, $0x3;
	s7 =	sadd.s32 s8, s12  }
0xf: {  	s12 =	simm.s32 $0x80;
	s8 =	sadd.s32 s8, s13;
	s13 =	simm.s32 $0x400  }
.LBB2_1:
0x10: {  	[tilespmem:s4], [sflag:$0x1] =	stream.linear.gather [hbm4b:s1+s4], $0x2000, $0x38;
	[tilespmem:$0x3000] =	vst v63  }
0x11: {  	_ =	swait.ge [sflag:s11], $0x2000  }
0x12: {  	[sflag:s11] =	ssyncset.done $0x0  }
0x13: {  	[sflag:s11] =	ssyncadd.s32 $0xFFFFE000  }
0x14: {  	[tilespmem:s14], [sflag:$0x1] =	stream.strided.gather [hbm4b:s7+s12], $0x400, s13, s12, $0x38;
	[tilespmem:$0x3000] =	vst v63  }
0x15: {  	_ =	swait.ge [sflag:s11], $0x400  }
0x16: {  	[sflag:s11] =	ssyncset.done $0x0  }
0x17: {  	[sflag:s11] =	ssyncadd.s32 $0xFFFFFC00  }
0x18: {  	[tilespmem:s15], [sflag:$0x1] =	stream.strided.gather [hbm4b:s8+s12], $0x400, s13, s12, $0x38;
	[tilespmem:$0x3000] =	vst v63  }
0x19: {  	_ =	swait.ge [sflag:s11], $0x400  }
0x1a: {  	[sflag:s11] =	ssyncset.done $0x0  }
0x1b: {  	s19 =	simm.s32 $0x0;
	[sflag:s11] =	ssyncadd.s32 $0xFFFFFC00  }
.LBB2_2:
0x1c: {  	s20 =	simm.s32 $0x0  }
0x1d: {  	s21 =	sand.u32 $0x70, s20;
	s20 =	sand.u32 $0x1C00, s20  }
0x1e: {  	s20 =	sor.u32 s21, s20  }
0x1f: {  	v0 =	vld [tilespmem:s20+$0x0]  }
0x20: {  	v1 =	vld [tilespmem:s20+$0x80];
	_ =	sdelay $0x1  }
0x21: {  	v2 =	vld [tilespmem:s20+$0x100];
	_ =	sdelay $0x1  }
0x22: {  	v3 =	vld [tilespmem:s20+$0x180]  }
0x23: {  	v4 =	vld [tilespmem:s20+$0x280]  }
0x24: {  	v5 =	vld [tilespmem:s20+$0x200]  }
0x25: {  	v0 =	vld.idx.msk [tilespmem:v0+s14+$0x0], $0xffff  }
0x26: {  	v1 =	vld.idx.msk [tilespmem:v1+s14+$0x0], $0xffff  }
0x27: {  	v6 =	vld [tilespmem:s20+$0x300]  }
0x28: {  	v2 =	vld.idx.msk [tilespmem:v2+s14+$0x0], $0xffff  }
0x29: {  	v7 =	vld [tilespmem:s20+$0x380]  }
0x2a: {  	v3 =	vld.idx.msk [tilespmem:v3+s14+$0x0], $0xffff  }
0x2b: {  	v0 =	vadd.f32 v1, v0  }
0x2c: {  	v1 =	vld.idx.msk [tilespmem:v5+s14+$0x0], $0xffff  }
0x2d: {  	v0 =	vadd.f32 v2, v0  }
0x2e: {  	v2 =	vld.idx.msk [tilespmem:v4+s14+$0x0], $0xffff  }
0x2f: {  	v0 =	vadd.f32 v3, v0  }
0x30: {  	v3 =	vld.idx.msk [tilespmem:v6+s14+$0x0], $0xffff  }
0x31: {  	v0 =	vadd.f32 v1, v0  }
0x32: {  	v1 =	vld.idx.msk [tilespmem:v7+s14+$0x0], $0xffff  }
0x33: {  	v0 =	vadd.f32 v2, v0;
	_ =	sdelay $0x1  }
0x34: {  	v0 =	vadd.f32 v3, v0  }
0x35: {  	p0 =	seq.s32 s19, $0x0;
	s20 =	simm.f32 $1.280000000e+02  }
0x36: {  	s20 =	simm.s32 @!p0 $0x3E000000;
	v1 =	vadd.f32 v1, v0  }
0x37: {  	v0 =	vmov s20  }
0x38: {  	s22 =	simm.s32 $0x10;
	s20 =	simm.s32 $0x80;
	v1 =	vmul.f32 v1, v0  }
0x39: {  	s22 =	sand.u32 $0x70, s22;
	s21 =	simm.s32 $0x2400;
	s23 =	sand.u32 $0x1C00, s20  }
0x3a: {  	s23 =	sor.u32 s22, s23;
	s22 =	simm.s32 $0x20;
	[tilespmem:s21+$0x0] =	vst v1  }
.LBB2_3:
0x3b: {  	p0 =	sne.s32 s22, $0x3F0;
	v1 =	vld [tilespmem:s23+$0x0]  }
0x3c: {  	v2 =	vld [tilespmem:s23+$0x80];
	_ =	sdelay $0x1  }
0x3d: {  	v3 =	vld [tilespmem:s23+$0x100];
	_ =	sdelay $0x1  }
0x3e: {  	v4 =	vld [tilespmem:s23+$0x180]  }
0x3f: {  	v5 =	vld [tilespmem:s23+$0x280]  }
0x40: {  	v6 =	vld [tilespmem:s23+$0x200]  }
0x41: {  	v1 =	vld.idx.msk [tilespmem:v1+s14+$0x0], $0xffff  }
0x42: {  	v2 =	vld.idx.msk [tilespmem:v2+s14+$0x0], $0xffff  }
0x43: {  	v7 =	vld [tilespmem:s23+$0x300]  }
0x44: {  	v3 =	vld.idx.msk [tilespmem:v3+s14+$0x0], $0xffff  }
0x45: {  	v8 =	vld [tilespmem:s23+$0x380]  }
0x46: {  	v4 =	vld.idx.msk [tilespmem:v4+s14+$0x0], $0xffff;
	_ =	sdelay $0x1  }
0x47: {  	v1 =	vadd.f32 v2, v1;
	v2 =	vld.idx.msk [tilespmem:v6+s14+$0x0], $0xffff;
	_ =	sdelay $0x1  }
0x48: {  	v1 =	vadd.f32 v3, v1;
	v3 =	vld.idx.msk [tilespmem:v5+s14+$0x0], $0xffff;
	_ =	sdelay $0x1  }
0x49: {  	v1 =	vadd.f32 v4, v1;
	v4 =	vld.idx.msk [tilespmem:v7+s14+$0x0], $0xffff;
	_ =	sdelay $0x1  }
0x4a: {  	v1 =	vadd.f32 v2, v1;
	v2 =	vld.idx.msk [tilespmem:v8+s14+$0x0], $0xffff;
	_ =	sdelay $0x1  }
0x4b: {  	v1 =	vadd.f32 v3, v1;
	_ =	sdelay $0x1  }
0x4c: {  	v1 =	vadd.f32 v4, v1;
	_ =	sdelay $0x1  }
.Ltmp0:
0x4d: {  	v1 =	vadd.f32 v2, v1;
	(pc) =	sbr.rel @p0 .LBB2_3-.Ltmp0, $4  }
0x4e: {  	_ = 	snop  }
0x4f: {  	s20 =	sadd.s32 $0x80, s20;
	v1 =	vmul.f32 v1, v0  }
0x50: {  	s21 =	sadd.s32 $0x10, s21;
	s24 =	sand.u32 $0x1C00, s20;
	s23 =	sand.u32 $0x70, s22  }
0x51: {  	s22 =	sadd.s32 $0x10, s22;
	s23 =	sor.u32 s23, s24;
	[tilespmem:s21+$0x0] =	vst v1  }
0x52: {  	v1 =	vld [tilespmem:s23+$0x0]  }
0x53: {  	v2 =	vld [tilespmem:s23+$0x80];
	_ =	sdelay $0x1  }
0x54: {  	v3 =	vld [tilespmem:s23+$0x100];
	_ =	sdelay $0x1  }
0x55: {  	v4 =	vld [tilespmem:s23+$0x180]  }
0x56: {  	v5 =	vld [tilespmem:s23+$0x280]  }
0x57: {  	v6 =	vld [tilespmem:s23+$0x200]  }
0x58: {  	v1 =	vld.idx.msk [tilespmem:v1+s14+$0x0], $0xffff  }
0x59: {  	v2 =	vld.idx.msk [tilespmem:v2+s14+$0x0], $0xffff  }
0x5a: {  	v7 =	vld [tilespmem:s23+$0x300]  }
0x5b: {  	v3 =	vld.idx.msk [tilespmem:v3+s14+$0x0], $0xffff  }
0x5c: {  	v8 =	vld [tilespmem:s23+$0x380]  }
0x5d: {  	v4 =	vld.idx.msk [tilespmem:v4+s14+$0x0], $0xffff  }
0x5e: {  	v1 =	vadd.f32 v2, v1  }
0x5f: {  	v2 =	vld.idx.msk [tilespmem:v6+s14+$0x0], $0xffff  }
0x60: {  	v1 =	vadd.f32 v3, v1  }
0x61: {  	v3 =	vld.idx.msk [tilespmem:v5+s14+$0x0], $0xffff  }
0x62: {  	v1 =	vadd.f32 v4, v1  }
0x63: {  	v63 =	vld.idx.msk [tilespmem:v7+s14+$0x0], $0xffff  }
0x64: {  	v1 =	vadd.f32 v2, v1  }
0x65: {  	v2 =	vld.idx.msk [tilespmem:v8+s14+$0x0], $0xffff  }
0x66: {  	v1 =	vadd.f32 v3, v1;
	_ =	sdelay $0x1  }
0x67: {  	v1 =	vadd.f32 v63, v1;
	_ =	sdelay $0x1  }
0x68: {  	s20 =	sshll.u32 s19, $0xF;
	v1 =	vadd.f32 v2, v1  }
0x69: {  	s20 =	sadd.s32 s9, s20  }
0x6a: {  	s22 =	sor.u32 s5, s20;
	v1 =	vmul.f32 v1, v0  }
0x6b: {  	s21 =	sadd.s32 $0x10, s21;
	s22 =	sshrl.u32 s22, $0x3  }
0x6c: {  	s31 =	sadd.s32 s2, s22;
	[tilespmem:s21+$0x0] =	vst v1  }
0x6d: {  	[hbm4b:s31+s12] =	stream.strided.scatter [tilespmem:s16], [sflag:$0x1], $0x400, s13, s12, $0x38;
	[tilespmem:$0x3000] =	vst v63  }
0x6e: {  	_ =	swait.ge [sflag:s11], $0x400  }
0x6f: {  	[sflag:s11] =	ssyncset.done $0x0  }
0x70: {  	s21 =	simm.s32 $0x0;
	[sflag:s11] =	ssyncadd.s32 $0xFFFFFC00  }
0x71: {  	s23 =	simm.s32 $0x40;
	s22 =	simm.s32 $0x0;
	v1 =	vld [tilespmem:s21+$0x2400]  }
.LBB2_5:
0x72: {  	p0 =	sne.s32 s23, $0xFC0  }
.Ltmp1:
0x73: {  	_ = 	snop;
	(pc) =	sbr.rel @p0 .LBB2_5-.Ltmp1, $3  }
0x74: {  	_ =	sdelay $0x1  }
0x75: {  	[tilespmem:s21+$0x2000] =	vst v1;
	s21 =	sshra.s32 s23, $0x2;
	s23 =	sadd.s32 $0x40, s23  }
0x76: {  	v1 =	vld [tilespmem:s21+$0x2400]  }
0x77: {  	_ =	sdelay $0x2  }
0x78: {  	s23 =	sand.u32 $0x70, s22;
	s29 =	sand.u32 $0x1C00, s22  }
0x79: {  	s30 =	sor.u32 s23, s29;
	[tilespmem:s21+$0x2000] =	vst v1  }
0x7a: {  	v1 =	vld [tilespmem:s30+$0x0]  }
0x7b: {  	v2 =	vld [tilespmem:s30+$0x80];
	_ =	sdelay $0x1  }
0x7c: {  	v3 =	vld [tilespmem:s30+$0x100];
	_ =	sdelay $0x1  }
0x7d: {  	v4 =	vld [tilespmem:s30+$0x180]  }
0x7e: {  	v5 =	vld [tilespmem:s30+$0x280]  }
0x7f: {  	v6 =	vld [tilespmem:s30+$0x200]  }
0x80: {  	v1 =	vld.idx.msk [tilespmem:v1+s15+$0x0], $0xffff  }
0x81: {  	v2 =	vld.idx.msk [tilespmem:v2+s15+$0x0], $0xffff  }
0x82: {  	v7 =	vld [tilespmem:s30+$0x300]  }
0x83: {  	v3 =	vld.idx.msk [tilespmem:v3+s15+$0x0], $0xffff  }
0x84: {  	v8 =	vld [tilespmem:s30+$0x380]  }
0x85: {  	v4 =	vld.idx.msk [tilespmem:v4+s15+$0x0], $0xffff  }
0x86: {  	v1 =	vadd.f32 v2, v1  }
0x87: {  	v2 =	vld.idx.msk [tilespmem:v6+s15+$0x0], $0xffff  }
0x88: {  	v1 =	vadd.f32 v3, v1  }
0x89: {  	v3 =	vld.idx.msk [tilespmem:v5+s15+$0x0], $0xffff  }
0x8a: {  	v1 =	vadd.f32 v4, v1  }
0x8b: {  	v63 =	vld.idx.msk [tilespmem:v7+s15+$0x0], $0xffff  }
0x8c: {  	v1 =	vadd.f32 v2, v1  }
0x8d: {  	v2 =	vld.idx.msk [tilespmem:v8+s15+$0x0], $0xffff  }
0x8e: {  	v1 =	vadd.f32 v3, v1;
	_ =	sdelay $0x1  }
0x8f: {  	v1 =	vadd.f32 v63, v1;
	_ =	sdelay $0x1  }
0x90: {  	v1 =	vadd.f32 v2, v1;
	_ =	sdelay $0x1  }
0x91: {  	s31 =	simm.s32 $0x10;
	s22 =	simm.s32 $0x80;
	v1 =	vmul.f32 v1, v0  }
0x92: {  	s23 =	sand.u32 $0x70, s31;
	s24 =	sand.u32 $0x1C00, s22;
	s21 =	simm.s32 $0x2C00  }
0x93: {  	s24 =	sor.u32 s23, s24;
	s23 =	simm.s32 $0x20;
	[tilespmem:s21+$0x0] =	vst v1  }
.LBB2_7:
0x94: {  	p0 =	sne.s32 s23, $0x3F0;
	v1 =	vld [tilespmem:s24+$0x0]  }
0x95: {  	v2 =	vld [tilespmem:s24+$0x80];
	_ =	sdelay $0x1  }
0x96: {  	v3 =	vld [tilespmem:s24+$0x100];
	_ =	sdelay $0x1  }
0x97: {  	v4 =	vld [tilespmem:s24+$0x180]  }
0x98: {  	v5 =	vld [tilespmem:s24+$0x280]  }
0x99: {  	v6 =	vld [tilespmem:s24+$0x200]  }
0x9a: {  	v1 =	vld.idx.msk [tilespmem:v1+s15+$0x0], $0xffff  }
0x9b: {  	v2 =	vld.idx.msk [tilespmem:v2+s15+$0x0], $0xffff  }
0x9c: {  	v7 =	vld [tilespmem:s24+$0x300]  }
0x9d: {  	v3 =	vld.idx.msk [tilespmem:v3+s15+$0x0], $0xffff  }
0x9e: {  	v8 =	vld [tilespmem:s24+$0x380]  }
0x9f: {  	v4 =	vld.idx.msk [tilespmem:v4+s15+$0x0], $0xffff;
	_ =	sdelay $0x1  }
0xa0: {  	v1 =	vadd.f32 v2, v1;
	v2 =	vld.idx.msk [tilespmem:v6+s15+$0x0], $0xffff;
	_ =	sdelay $0x1  }
0xa1: {  	v1 =	vadd.f32 v3, v1;
	v3 =	vld.idx.msk [tilespmem:v5+s15+$0x0], $0xffff;
	_ =	sdelay $0x1  }
0xa2: {  	v1 =	vadd.f32 v4, v1;
	v4 =	vld.idx.msk [tilespmem:v7+s15+$0x0], $0xffff;
	_ =	sdelay $0x1  }
0xa3: {  	v1 =	vadd.f32 v2, v1;
	v2 =	vld.idx.msk [tilespmem:v8+s15+$0x0], $0xffff;
	_ =	sdelay $0x1  }
0xa4: {  	v1 =	vadd.f32 v3, v1;
	_ =	sdelay $0x1  }
0xa5: {  	v1 =	vadd.f32 v4, v1;
	_ =	sdelay $0x1  }
.Ltmp2:
0xa6: {  	v1 =	vadd.f32 v2, v1;
	(pc) =	sbr.rel @p0 .LBB2_7-.Ltmp2, $4  }
0xa7: {  	_ = 	snop  }
0xa8: {  	s22 =	sadd.s32 $0x80, s22;
	v1 =	vmul.f32 v1, v0  }
0xa9: {  	s21 =	sadd.s32 $0x10, s21;
	s25 =	sand.u32 $0x1C00, s22;
	s24 =	sand.u32 $0x70, s23  }
0xaa: {  	s23 =	sadd.s32 $0x10, s23;
	s24 =	sor.u32 s24, s25;
	[tilespmem:s21+$0x0] =	vst v1  }
0xab: {  	v1 =	vld [tilespmem:s24+$0x0]  }
0xac: {  	v2 =	vld [tilespmem:s24+$0x80];
	_ =	sdelay $0x1  }
0xad: {  	v3 =	vld [tilespmem:s24+$0x100];
	_ =	sdelay $0x1  }
0xae: {  	v4 =	vld [tilespmem:s24+$0x180]  }
0xaf: {  	v5 =	vld [tilespmem:s24+$0x280]  }
0xb0: {  	v6 =	vld [tilespmem:s24+$0x200]  }
0xb1: {  	v1 =	vld.idx.msk [tilespmem:v1+s15+$0x0], $0xffff  }
0xb2: {  	v2 =	vld.idx.msk [tilespmem:v2+s15+$0x0], $0xffff  }
0xb3: {  	v7 =	vld [tilespmem:s24+$0x300]  }
0xb4: {  	v3 =	vld.idx.msk [tilespmem:v3+s15+$0x0], $0xffff  }
0xb5: {  	v8 =	vld [tilespmem:s24+$0x380]  }
0xb6: {  	v4 =	vld.idx.msk [tilespmem:v4+s15+$0x0], $0xffff  }
0xb7: {  	v1 =	vadd.f32 v2, v1  }
0xb8: {  	v2 =	vld.idx.msk [tilespmem:v6+s15+$0x0], $0xffff  }
0xb9: {  	v1 =	vadd.f32 v3, v1  }
0xba: {  	v3 =	vld.idx.msk [tilespmem:v5+s15+$0x0], $0xffff  }
0xbb: {  	v1 =	vadd.f32 v4, v1  }
0xbc: {  	v63 =	vld.idx.msk [tilespmem:v7+s15+$0x0], $0xffff  }
0xbd: {  	v1 =	vadd.f32 v2, v1  }
0xbe: {  	v2 =	vld.idx.msk [tilespmem:v8+s15+$0x0], $0xffff  }
0xbf: {  	v1 =	vadd.f32 v3, v1;
	_ =	sdelay $0x1  }
0xc0: {  	v1 =	vadd.f32 v63, v1;
	_ =	sdelay $0x1  }
0xc1: {  	v1 =	vadd.f32 v2, v1;
	_ =	sdelay $0x1  }
0xc2: {  	s20 =	sor.u32 s6, s20;
	v0 =	vmul.f32 v1, v0  }
0xc3: {  	s21 =	sadd.s32 $0x10, s21;
	s20 =	sshrl.u32 s20, $0x3  }
0xc4: {  	s20 =	sadd.s32 s2, s20;
	[tilespmem:s21+$0x0] =	vst v0  }
0xc5: {  	[hbm4b:s20+s12] =	stream.strided.scatter [tilespmem:s17], [sflag:$0x1], $0x400, s13, s12, $0x38;
	[tilespmem:$0x3000] =	vst v63  }
0xc6: {  	_ =	swait.ge [sflag:s11], $0x400  }
0xc7: {  	[sflag:s11] =	ssyncset.done $0x0  }
0xc8: {  	s20 =	simm.s32 $0x0;
	[sflag:s11] =	ssyncadd.s32 $0xFFFFFC00  }
0xc9: {  	s21 =	simm.s32 $0x40;
	v0 =	vld [tilespmem:s20+$0x2C00]  }
.LBB2_9:
0xca: {  	p0 =	sne.s32 s21, $0xFC0  }
.Ltmp3:
0xcb: {  	_ = 	snop;
	(pc) =	sbr.rel @p0 .LBB2_9-.Ltmp3, $3  }
0xcc: {  	_ =	sdelay $0x1  }
0xcd: {  	[tilespmem:s20+$0x2800] =	vst v0;
	s20 =	sshra.s32 s21, $0x2;
	s21 =	sadd.s32 $0x40, s21  }
0xce: {  	v0 =	vld [tilespmem:s20+$0x2C00]  }
0xcf: {  	s19 =	sadd.s32 $0x1, s19  }
0xd0: {  	p0 =	sne.s32 s19, $0xF  }
.Ltmp4:
0xd1: {  	_ = 	snop;
	(pc) =	sbr.rel @p0 .LBB2_2-.Ltmp4, $2  }
0xd2: {  	_ =	sdelay $0x2  }
0xd3: {  	[tilespmem:s20+$0x2800] =	vst v0  }
0xd4: {  	s18 =	sadd.s32 $0x1, s18  }
0xd5: {  	p0 =	sne.s32 s18, s10  }
.Ltmp5:
0xd6: {  	_ = 	snop;
	(pc) =	sbr.rel @p0 .LBB2_1-.Ltmp5, $1  }
0xd7: {  	_ =	sdelay $0x3  }
0xd8: {  	_ =	sfence.sel $0x180000  }
0xd9: {  	[bflag:$0x0] =	sbarrier.arrive $0xFFFF  }
0xda: {  	p0 =	sne.s32 s3, $0x0;
	_ =	strace $0x90000047  }
0xdb: {  	s0 =	sadd.s32 @!p0 $0x100000, s0;
	[bflag:$0x2] =	sbarrier.arrive $0xFFFF  }
0xdc: {  	[sflag:s0] =	ssyncadd.tile.s32 @!p0 $0x1;
	_ =	shalt  }
.Lfunc_end2:
_tile_overlayer_lowered:
.L_overlay_start_2:
0xdd: {  	(tag) =	ssettag $0x2  }
0xde: {  	s0 =	rddreg [dreg:$0x0];
	s2 =	stileid.u32  }
0xdf: {  	s1 =	rddreg [dreg:$0x1];
	p0 =	sne.s32 s2, $0x0  }
0xe0: {  	s3 =	rddreg [dreg:$0x2];
	[bflag:$0x3] =	sbarrier.arrive $0xFFFF;
	s2 =	simm.s32 @!p0 $0x1C01  }
0xe1: {  	[timem:s3], [sflag:s2] =	dma.local @!p0 [hbm:s0], s1  }
0xe2: {  	s0 =	simm.s32 @!p0 $0x1  }
0xe3: {  	_ =	swait.ge @!p0 [sflag:s0], s1  }
0xe4: {  	s1 =	ssub.s32 @!p0 $0x0, s1;
	[sflag:s0] =	ssyncset.done @!p0 $0x0  }
0xe5: {  	[sflag:s0] =	ssyncadd.s32 @!p0 s1  }
0xe6: {  	[bflag:$0x3] =	sbarrier.arrive $0xFFFF  }
0xe7: {  	_ =	shalt  }

</sc_bundles>
